<compile_context>
chip_gen: v7x
topology: tpu7x:2x2x1
jax: 0.10.2.dev20260603
libtpu: 0.0.44.dev20260713+nightly
codegen_flags: <defaults>
</compile_context>

<pallas_src>
import jax
import jax.numpy as jnp
from jax import lax
from jax.experimental import pallas as pl
from jax.experimental.pallas import tpu as pltpu
from jax.experimental.pallas import tpu_sc as plsc

NCLUSTER = 256
NDIM = 128
NPOINTS = 100000
VALIDSIZE = 2000

TN = 512
NPAD = ((NPOINTS + TN - 1) // TN) * TN
NBLK = NPAD // TN

L = 16
NB = 128
NQ = 512
NH = 2
CAP = 4096
RW = 8
W = 2048
NW = NPAD // W
KV = W // L
U1 = 4
U2 = 4



def _dist_kernel(dataT_ref, w_ref, wc2_ref, ksum_ref, thd_ref, lab_ref,
                 dist_ref, cnt_ref, slab_ref):
    j = pl.program_id(0)
    dT = dataT_ref[...]
    d2T = dT * dT
    dist = jnp.dot(w_ref[...], d2T, preferred_element_type=jnp.float32)
    dist = dist + jnp.dot(wc2_ref[...], dT, preferred_element_type=jnp.float32)
    dist = dist + ksum_ref[...]
    col = lax.broadcasted_iota(jnp.int32, (1, TN), 1) + j * TN
    dist = jnp.where(col < NPOINTS, dist, 1e30)
    dist_ref[...] = dist
    mask = (dist <= thd_ref[...]).astype(jnp.float32)
    cnt_p = jnp.sum(mask, axis=1, keepdims=True)
    slab_p = jnp.sum(mask * lab_ref[...], axis=1, keepdims=True)

    @pl.when(j == 0)
    def _():
        cnt_ref[...] = jnp.zeros_like(cnt_ref)
        slab_ref[...] = jnp.zeros_like(slab_ref)

    cnt_ref[...] += cnt_p
    slab_ref[...] += slab_p


def _dist_stage(dataT, labp, weight, wc2, ksum, thd):
    return pl.pallas_call(
        _dist_kernel,
        grid=(NBLK,),
        in_specs=[
            pl.BlockSpec((NDIM, TN), lambda j: (0, j)),
            pl.BlockSpec((NCLUSTER, NDIM), lambda j: (0, 0)),
            pl.BlockSpec((NCLUSTER, NDIM), lambda j: (0, 0)),
            pl.BlockSpec((NCLUSTER, 1), lambda j: (0, 0)),
            pl.BlockSpec((NCLUSTER, 1), lambda j: (0, 0)),
            pl.BlockSpec((1, TN), lambda j: (0, j)),
        ],
        out_specs=[
            pl.BlockSpec((NCLUSTER, TN), lambda j: (0, j)),
            pl.BlockSpec((NCLUSTER, 1), lambda j: (0, 0)),
            pl.BlockSpec((NCLUSTER, 1), lambda j: (0, 0)),
        ],
        out_shape=[
            jax.ShapeDtypeStruct((NCLUSTER, NPAD), jnp.float32),
            jax.ShapeDtypeStruct((NCLUSTER, 1), jnp.float32),
            jax.ShapeDtypeStruct((NCLUSTER, 1), jnp.float32),
        ],
    )(dataT, weight, wc2, ksum, thd, labp)



def _hist_rows(buf, hist1, inv_ws, lane, ones_i):
    for r in range(RW):
        inv_w = inv_ws[r]
        base_r = r * (NB * NH * L)

        @plsc.parallel_loop(0, W, step=U1 * L)
        def _(i, r=r, inv_w=inv_w, base_r=base_r):
            for u in range(U1):
                x = buf[r, pl.ds(i + u * L, L)]
                b = jnp.clip((x * inv_w).astype(jnp.int32), 0, NB - 1)
                plsc.addupdate_scatter(
                    hist1, [base_r + b * (NH * L) + (u % NH) * L + lane],
                    ones_i)


def _compact_rows(buf, cand, tc_splat, mofs):
    new = []
    for r in range(RW):
        tcr = tc_splat[r]

        @plsc.parallel_loop(0, W, step=U2 * L, carry=mofs[r])
        def m_fin(i, m_off, r=r, tcr=tcr):
            for u in range(U2):
                x = buf[r, pl.ds(i + u * L, L)]
                msk = x <= tcr
                plsc.store_compressed(cand.at[pl.ds(r * CAP + m_off, L)],
                                      x, mask=msk)
                pc = plsc.all_reduce_population_count(msk)
                m_off = jnp.minimum(m_off + pc[0], CAP - L)
            return m_off
        new.append(m_fin)
    return tuple(new)


def _select_body(dist_hbm, thd_hbm, out_hbm, bufa, bufb, thd_b, hist1, cand,
                 qhist, dst, outb, sema, semb):
    wid = lax.axis_index("s") * 2 + lax.axis_index("c")
    c8 = pl.multiple_of(wid * RW, 8)
    lane = lax.iota(jnp.int32, L)
    ones_i = jnp.ones((L,), jnp.int32)
    z16i = jnp.zeros((L,), jnp.int32)
    big = jnp.full((L,), 1e30, jnp.float32)

    pltpu.sync_copy(thd_hbm.at[pl.ds(c8 * L, RW * L)], thd_b)
    inv_ws, tvs = [], []
    for r in range(RW):
        tv = thd_b[pl.ds(r * L, L)]
        tvs.append(tv)
        inv_ws.append(jnp.float32(NB) / tv)

    pltpu.sync_copy(outb, out_hbm.at[pl.ds(c8, RW), :])


def _select_stage(dist, thd16):
    mesh = plsc.VectorSubcoreMesh(core_axis_name="c", subcore_axis_name="s")
    return pl.kernel(
        _select_body,
        out_type=jax.ShapeDtypeStruct((NCLUSTER, VALIDSIZE), jnp.float32),
        mesh=mesh,
        scratch_types=[
            pltpu.VMEM((RW, W), jnp.float32),
            pltpu.VMEM((RW, W), jnp.float32),
            pltpu.VMEM((RW * L,), jnp.float32),
            pltpu.VMEM((RW * NB * NH * L,), jnp.int32),
            pltpu.VMEM((RW * CAP,), jnp.float32),
            pltpu.VMEM((NQ * L,), jnp.int32),
            pltpu.VMEM((CAP,), jnp.float32),
            pltpu.VMEM((RW, VALIDSIZE), jnp.float32),
            pltpu.SemaphoreType.DMA,
            pltpu.SemaphoreType.DMA,
        ],
        compiler_params=pltpu.CompilerParams(needs_layout_passes=False),
    )(dist, thd16)



def kernel(data, label, cluster, weight, profit):
    dataT = jnp.pad(data, ((0, NPAD - NPOINTS), (0, 0))).T
    labp = jnp.pad(label, (0, NPAD - NPOINTS)).reshape(1, NPAD)
    wc = weight * cluster
    wc2 = -2.0 * wc
    ksum = jnp.sum(wc * cluster, axis=1, keepdims=True)
    thd = profit[:, 3:4]
    dist, cnt, slab = _dist_stage(dataT, labp, weight, wc2, ksum, thd)
    thd16 = jnp.broadcast_to(thd, (NCLUSTER, L)).reshape(-1)
    sel_vals = _select_stage(dist, thd16)
    cnt1 = cnt[:, 0]
    prof = slab[:, 0] / jnp.maximum(cnt1, 1.0)
    stat = jnp.stack([prof, cnt1], axis=1)
    return sel_vals, stat

# --- scband reference (transcript-rebuilt; emitter-appended) ---
"""Pipeline reference for scband-mcmodel-63067299774560 (READ-ONLY COPY).

The authoritative reference and input builder live on the scoring server;
editing this copy changes nothing except your own understanding.
"""

import jax, jax.numpy as jnp
import numpy as np

NCLUSTER = 256
NDIM = 128
NPOINTS = 100000
VALIDSIZE = 2000


def data2cluster(data, cluster, weight):
    # weighted squared distance: dist[c, n] = sum_d weight[c,d] * (data[n,d] - cluster[c,d])**2
    # expanded to avoid materializing [C, N, D]
    wc = weight * cluster                                  # [C, D]
    dist = (data ** 2) @ weight.T                          # [N, C]
    dist = dist - 2.0 * (data @ wc.T)                      # [N, C]
    dist = dist + jnp.sum(wc * cluster, axis=1)[None, :]   # [N, C]
    dist = dist.T                                          # [C, N]
    va = jnp.sort(dist, axis=1)
    idx = jnp.argsort(dist, axis=1)
    return va, idx


def setup_inputs(seed: int = 0) -> dict:
    key = jax.random.key(seed)
    k1, k2, k3, k4, k5 = jax.random.split(key, 5)
    data = jax.random.normal(k1, (NPOINTS, NDIM), dtype=jnp.float32)
    label = jax.random.uniform(k2, (NPOINTS,), dtype=jnp.float32)
    # learned parameters (nn.Parameter in the torch module); randomized so distances are meaningful
    cluster = jax.random.normal(k3, (NCLUSTER, NDIM), dtype=jnp.float32)
    weight = jax.random.uniform(k4, (NCLUSTER, NDIM), dtype=jnp.float32, minval=0.1, maxval=1.0)
    profit = jax.random.normal(k5, (NCLUSTER, 4), dtype=jnp.float32)
    # profit[:, 3] is the distance threshold used by selectwiththd; set near the expected
    # weighted-distance scale (~ NDIM * E[w] * E[(x-mu)^2] ~ 140) so a nontrivial subset is selected
    profit = profit.at[:, 3].set(130.0)
    return {"data": data, "label": label, "cluster": cluster, "weight": weight, "profit": profit}


def reference(data, label, cluster, weight, profit):
    # eval-mode forward path of MCmodel: x = (data, label), label is not None
    va, idx = data2cluster(data, cluster, weight)          # [C, N], [C, N]
    # MC.selectwiththd(va, idx, profit[:, 3]) -> per-cluster selection mask (dense, jit-friendly)
    mask = va <= profit[:, 3:4]                            # [C, N] boolean
    # selected distance values for the top-validsize candidates per cluster
    sel_vals = jnp.where(mask[:, :VALIDSIZE], va[:, :VALIDSIZE], 0.0)  # [C, VALIDSIZE]
    # per-cluster stat: [MC.profit(label[one]) (mean label over selected), count]
    gathered = label[idx]                                  # [C, N] gather
    cnt = jnp.sum(mask, axis=1)                            # [C]
    prof = jnp.sum(jnp.where(mask, gathered, 0.0), axis=1) / jnp.maximum(cnt, 1).astype(jnp.float32)
    stat = jnp.stack([prof, cnt.astype(jnp.float32)], axis=1)  # [C, 2]
    return sel_vals, stat

if __name__ == "__main__":
    import jax
    _d = setup_inputs()
    print(jax.jit(kernel)(*tuple(_d.values())))

</pallas_src>

<mosaic_0001>
#map = affine_map<(d0, d1) -> (0, 0)>
#map1 = affine_map<(d0, d1) -> (0)>
module attributes {stable_mosaic.version = 14 : i64} {
  func.func @_select_body(%arg0: i32, %arg1: i32, %arg2: memref<256x100352xf32, #tpu.memory_space<hbm>>, %arg3: memref<4096xf32, #tpu.memory_space<hbm>>, %arg4: memref<256x2000xf32, #tpu.memory_space<hbm>>, %arg5: memref<8x2048xf32, #tpu.memory_space<vmem>>, %arg6: memref<8x2048xf32, #tpu.memory_space<vmem>>, %arg7: memref<128xf32, #tpu.memory_space<vmem>>, %arg8: memref<32768xi32, #tpu.memory_space<vmem>>, %arg9: memref<32768xf32, #tpu.memory_space<vmem>>, %arg10: memref<8192xi32, #tpu.memory_space<vmem>>, %arg11: memref<4096xf32, #tpu.memory_space<vmem>>, %arg12: memref<8x2000xf32, #tpu.memory_space<vmem>>, %arg13: memref<!tpu.dma_semaphore, #tpu.memory_space<semaphore_mem>>, %arg14: memref<!tpu.dma_semaphore, #tpu.memory_space<semaphore_mem>>) attributes {dimension_semantics = [#tpu.dimension_semantics<core_parallel>, #tpu.dimension_semantics<subcore_parallel>], iteration_bounds = array<i64: 2, 16>, scalar_prefetch = 0 : i64, scratch_operands = 10 : i64, tpu.core_type = #tpu.core_type<sc_vector_subcore>, window_params = [{transform_indices = #map}, {transform_indices = #map1}, {transform_indices = #map}]} {
    %mul3A = arith.constant 2 : i32
    %mul3A_0 = arith.muli %arg1, %mul3A : i32
    %add3A = arith.addi %mul3A_0, %arg0 : i32
    %mul3A_1 = arith.constant 8 : i32
    %mul3A_2 = arith.muli %add3A, %mul3A_1 : i32
    %multiple_of3A = tpu.assume_multiple %mul3A_2, 8 : i32
    %iota3A = tpu.iota {dimensions = array<i32: 0>} : vector<16xi32>
    %broadcast_in_dim3A = arith.constant 1 : i32
    %broadcast_in_dim3A_3 = vector.broadcast %broadcast_in_dim3A : i32 to vector<16xi32>
    %broadcast_in_dim3A_4 = arith.constant 0 : i32
    %broadcast_in_dim3A_5 = vector.broadcast %broadcast_in_dim3A_4 : i32 to vector<16xi32>
    %broadcast_in_dim3A_6 = arith.constant 1.000000e+30 : f32
    %broadcast_in_dim3A_7 = vector.broadcast %broadcast_in_dim3A_6 : f32 to vector<16xf32>
    %mul3A_8 = arith.constant 16 : i32
    %mul3A_9 = arith.muli %multiple_of3A, %mul3A_8 : i32
    "tpu.region"() ({
      %run_scoped3A = tpu.sem_alloc : memref<!tpu.dma_semaphore, #tpu.memory_space<semaphore_mem>>
      %dma_start3A = tpu.memref_slice %arg3[%mul3A_9] : memref<4096xf32, #tpu.memory_space<hbm>> -> memref<128xf32, #tpu.memory_space<hbm>>
      %dma_start3A_48 = tpu.memref_slice %arg3[%mul3A_9] : memref<4096xf32, #tpu.memory_space<hbm>> -> memref<128xf32, #tpu.memory_space<hbm>>
      tpu.enqueue_dma source(%dma_start3A_48 : memref<128xf32, #tpu.memory_space<hbm>>) target(%arg7 : memref<128xf32, #tpu.memory_space<vmem>>) target_semaphore(%run_scoped3A : memref<!tpu.dma_semaphore, #tpu.memory_space<semaphore_mem>>)
      %dma_wait3A = tpu.memref_slice %arg3[%mul3A_9] : memref<4096xf32, #tpu.memory_space<hbm>> -> memref<128xf32, #tpu.memory_space<hbm>>
      %dma_wait3A_49 = tpu.memref_slice %arg3[%mul3A_9] : memref<4096xf32, #tpu.memory_space<hbm>> -> memref<128xf32, #tpu.memory_space<hbm>>
      tpu.wait_dma2 semaphore(%run_scoped3A : memref<!tpu.dma_semaphore, #tpu.memory_space<semaphore_mem>>) src(%dma_wait3A_49 : memref<128xf32, #tpu.memory_space<hbm>>) dst(%arg7 : memref<128xf32, #tpu.memory_space<vmem>>)
      tpu.yield
    }) : () -> ()
    %get3A = arith.constant 0 : index
    %get3A_10 = tpu.vector_load %arg7[%get3A] {strides = array<i32>} : memref<128xf32, #tpu.memory_space<vmem>>, vector<16xf32>,
    %div3A = arith.constant 1.280000e+02 : f32
    %div3A_11 = vector.broadcast %div3A : f32 to vector<16xf32>
    %div3A_12 = arith.divf %div3A_11, %get3A_10 : vector<16xf32>
    %get3A_13 = arith.constant 16 : index
    %get3A_14 = tpu.vector_load %arg7[%get3A_13] {strides = array<i32>} : memref<128xf32, #tpu.memory_space<vmem>>, vector<16xf32>,
    %div3A_15 = arith.constant 1.280000e+02 : f32
    %div3A_16 = vector.broadcast %div3A_15 : f32 to vector<16xf32>
    %div3A_17 = arith.divf %div3A_16, %get3A_14 : vector<16xf32>
    %get3A_18 = arith.constant 32 : index
    %get3A_19 = tpu.vector_load %arg7[%get3A_18] {strides = array<i32>} : memref<128xf32, #tpu.memory_space<vmem>>, vector<16xf32>,
    %div3A_20 = arith.constant 1.280000e+02 : f32
    %div3A_21 = vector.broadcast %div3A_20 : f32 to vector<16xf32>
    %div3A_22 = arith.divf %div3A_21, %get3A_19 : vector<16xf32>
    %get3A_23 = arith.constant 48 : index
    %get3A_24 = tpu.vector_load %arg7[%get3A_23] {strides = array<i32>} : memref<128xf32, #tpu.memory_space<vmem>>, vector<16xf32>,
    %div3A_25 = arith.constant 1.280000e+02 : f32
    %div3A_26 = vector.broadcast %div3A_25 : f32 to vector<16xf32>
    %div3A_27 = arith.divf %div3A_26, %get3A_24 : vector<16xf32>
    %get3A_28 = arith.constant 64 : index
    %get3A_29 = tpu.vector_load %arg7[%get3A_28] {strides = array<i32>} : memref<128xf32, #tpu.memory_space<vmem>>, vector<16xf32>,
    %div3A_30 = arith.constant 1.280000e+02 : f32
    %div3A_31 = vector.broadcast %div3A_30 : f32 to vector<16xf32>
    %div3A_32 = arith.divf %div3A_31, %get3A_29 : vector<16xf32>
    %get3A_33 = arith.constant 80 : index
    %get3A_34 = tpu.vector_load %arg7[%get3A_33] {strides = array<i32>} : memref<128xf32, #tpu.memory_space<vmem>>, vector<16xf32>,
    %div3A_35 = arith.constant 1.280000e+02 : f32
    %div3A_36 = vector.broadcast %div3A_35 : f32 to vector<16xf32>
    %div3A_37 = arith.divf %div3A_36, %get3A_34 : vector<16xf32>
    %get3A_38 = arith.constant 96 : index
    %get3A_39 = tpu.vector_load %arg7[%get3A_38] {strides = array<i32>} : memref<128xf32, #tpu.memory_space<vmem>>, vector<16xf32>,
    %div3A_40 = arith.constant 1.280000e+02 : f32
    %div3A_41 = vector.broadcast %div3A_40 : f32 to vector<16xf32>
    %div3A_42 = arith.divf %div3A_41, %get3A_39 : vector<16xf32>
    %get3A_43 = arith.constant 112 : index
    %get3A_44 = tpu.vector_load %arg7[%get3A_43] {strides = array<i32>} : memref<128xf32, #tpu.memory_space<vmem>>, vector<16xf32>,
    %div3A_45 = arith.constant 1.280000e+02 : f32
    %div3A_46 = vector.broadcast %div3A_45 : f32 to vector<16xf32>
    %div3A_47 = arith.divf %div3A_46, %get3A_44 : vector<16xf32>
    "tpu.region"() ({
      %run_scoped3A = tpu.sem_alloc : memref<!tpu.dma_semaphore, #tpu.memory_space<semaphore_mem>>
      %dma_start3A = arith.constant 0 : i32
      %dma_start3A_48 = tpu.memref_slice %arg4[%multiple_of3A, %dma_start3A] : memref<256x2000xf32, #tpu.memory_space<hbm>> -> memref<8x2000xf32, #tpu.memory_space<hbm>>
      %dma_start3A_49 = arith.constant 0 : i32
      %dma_start3A_50 = tpu.memref_slice %arg4[%multiple_of3A, %dma_start3A_49] : memref<256x2000xf32, #tpu.memory_space<hbm>> -> memref<8x2000xf32, #tpu.memory_space<hbm>>
      tpu.enqueue_dma source(%arg12 : memref<8x2000xf32, #tpu.memory_space<vmem>>) target(%dma_start3A_50 : memref<8x2000xf32, #tpu.memory_space<hbm>>) target_semaphore(%run_scoped3A : memref<!tpu.dma_semaphore, #tpu.memory_space<semaphore_mem>>)
      %dma_wait3A = arith.constant 0 : i32
      %dma_wait3A_51 = tpu.memref_slice %arg4[%multiple_of3A, %dma_wait3A] : memref<256x2000xf32, #tpu.memory_space<hbm>> -> memref<8x2000xf32, #tpu.memory_space<hbm>>
      %dma_wait3A_52 = arith.constant 0 : i32
      %dma_wait3A_53 = tpu.memref_slice %arg4[%multiple_of3A, %dma_wait3A_52] : memref<256x2000xf32, #tpu.memory_space<hbm>> -> memref<8x2000xf32, #tpu.memory_space<hbm>>
      tpu.wait_dma2 semaphore(%run_scoped3A : memref<!tpu.dma_semaphore, #tpu.memory_space<semaphore_mem>>) src(%arg12 : memref<8x2000xf32, #tpu.memory_space<vmem>>) dst(%dma_wait3A_53 : memref<8x2000xf32, #tpu.memory_space<hbm>>)
      tpu.yield
    }) : () -> ()
    return
  }
}

module attributes {stable_mosaic.version = 14 : i64} {
  func.func @_dist_kernel(%arg0: i32, %arg1: memref<128x512xf32, #tpu.memory_space<vmem>>, %arg2: memref<256x128xf32, #tpu.memory_space<vmem>>, %arg3: memref<256x128xf32, #tpu.memory_space<vmem>>, %arg4: memref<256x1xf32, #tpu.memory_space<vmem>>, %arg5: memref<256x1xf32, #tpu.memory_space<vmem>>, %arg6: memref<1x512xf32, #tpu.memory_space<vmem>>, %arg7: memref<256x512xf32, #tpu.memory_space<vmem>>, %arg8: memref<256x1xf32, #tpu.memory_space<vmem>>, %arg9: memref<256x1xf32, #tpu.memory_space<vmem>>) attributes {dimension_semantics = [#tpu.dimension_semantics<arbitrary>], iteration_bounds = array<i64: 196>, scalar_prefetch = 0 : i64, scratch_operands = 0 : i64, tpu.core_type = #tpu.core_type<tc>, window_params = [{transform_indices = @transform_0, window_bounds = array<i64: 128, 512>}, {pipeline_mode = #tpu.pipeline_mode<synchronous>, transform_indices = @transform_1, window_bounds = array<i64: 256, 128>}, {pipeline_mode = #tpu.pipeline_mode<synchronous>, transform_indices = @transform_2, window_bounds = array<i64: 256, 128>}, {pipeline_mode = #tpu.pipeline_mode<synchronous>, transform_indices = @transform_3, window_bounds = array<i64: 256, 1>}, {pipeline_mode = #tpu.pipeline_mode<synchronous>, transform_indices = @transform_4, window_bounds = array<i64: 256, 1>}, {transform_indices = @transform_5, window_bounds = array<i64: 1, 512>}, {transform_indices = @transform_6, window_bounds = array<i64: 256, 512>}, {pipeline_mode = #tpu.pipeline_mode<synchronous>, transform_indices = @transform_7, window_bounds = array<i64: 256, 1>}, {pipeline_mode = #tpu.pipeline_mode<synchronous>, transform_indices = @transform_8, window_bounds = array<i64: 256, 1>}]} {
    %get3A = arith.constant 0 : index
    %get3A_0 = arith.constant 0 : index
    %get3A_1 = vector.load %arg1[%get3A, %get3A_0] : memref<128x512xf32, #tpu.memory_space<vmem>>, vector<128x512xf32>
    %mul3A = arith.mulf %get3A_1, %get3A_1 : vector<128x512xf32>
    %get3A_2 = arith.constant 0 : index
    %get3A_3 = arith.constant 0 : index
    %get3A_4 = vector.load %arg2[%get3A_2, %get3A_3] : memref<256x128xf32, #tpu.memory_space<vmem>>, vector<256x128xf32>
    %dot_general3A = arith.constant dense<0.000000e+00> : vector<256x512xf32>
    %dot_general3A_5 = tpu.matmul %get3A_4, %mul3A, %dot_general3A {dimension_numbers = #tpu.dot_dimension_numbers<[1], [0], [0], [1], [0, 0, 1, 1], [], []>, transpose_lhs_hint = false} : vector<256x128xf32>, vector<128x512xf32>, vector<256x512xf32> -> vector<256x512xf32>
    %get3A_6 = arith.constant 0 : index
    %get3A_7 = arith.constant 0 : index
    %get3A_8 = vector.load %arg3[%get3A_6, %get3A_7] : memref<256x128xf32, #tpu.memory_space<vmem>>, vector<256x128xf32>
    %dot_general3A_9 = arith.constant dense<0.000000e+00> : vector<256x512xf32>
    %dot_general3A_10 = tpu.matmul %get3A_8, %get3A_1, %dot_general3A_9 {dimension_numbers = #tpu.dot_dimension_numbers<[1], [0], [0], [1], [0, 0, 1, 1], [], []>, transpose_lhs_hint = false} : vector<256x128xf32>, vector<128x512xf32>, vector<256x512xf32> -> vector<256x512xf32>
    %add3A = arith.addf %dot_general3A_5, %dot_general3A_10 : vector<256x512xf32>
    %get3A_11 = arith.constant 0 : index
    %get3A_12 = arith.constant 0 : index
    %get3A_13 = vector.load %arg4[%get3A_11, %get3A_12] : memref<256x1xf32, #tpu.memory_space<vmem>>, vector<256x1xf32>
    %add3A_14 = vector.broadcast %get3A_13 : vector<256x1xf32> to vector<256x512xf32>
    %add3A_15 = arith.addf %add3A, %add3A_14 : vector<256x512xf32>
    %iota3A = tpu.iota {dimensions = array<i32: 1>} : vector<1x512xi32>
    %mul3A_16 = arith.constant 512 : i32
    %mul3A_17 = arith.muli %arg0, %mul3A_16 : i32
    %add3A_18 = vector.broadcast %mul3A_17 : i32 to vector<1x512xi32>
    %add3A_19 = arith.addi %iota3A, %add3A_18 : vector<1x512xi32>
    %lt3A = arith.constant 100000 : i32
    %lt3A_20 = vector.broadcast %lt3A : i32 to vector<1x512xi32>
    %lt3A_21 = arith.cmpi slt, %add3A_19, %lt3A_20 : vector<1x512xi32>
    %jit3A = arith.constant 1.000000e+30 : f32
    %broadcast_in_dim3A = vector.shape_cast %lt3A_21 : vector<1x512xi1> to vector<1x512xi1>
    %broadcast_in_dim3A_22 = vector.broadcast %broadcast_in_dim3A : vector<1x512xi1> to vector<256x512xi1>
    %broadcast_in_dim3A_23 = vector.broadcast %jit3A : f32 to vector<256x512xf32>
    %select_n3A = arith.select %broadcast_in_dim3A_22, %add3A_15, %broadcast_in_dim3A_23 : vector<256x512xi1>, vector<256x512xf32>
    %swap3A = arith.constant 0 : index
    %swap3A_24 = arith.constant 0 : index
    %swap3A_25 = vector.load %arg7[%swap3A, %swap3A_24] : memref<256x512xf32, #tpu.memory_space<vmem>>, vector<256x512xf32>
    tpu.vector_store %arg7[%swap3A, %swap3A_24], %select_n3A {strides = array<i32>} : memref<256x512xf32, #tpu.memory_space<vmem>>, vector<256x512xf32>,
    %get3A_26 = arith.constant 0 : index
    %get3A_27 = arith.constant 0 : index
    %get3A_28 = vector.load %arg5[%get3A_26, %get3A_27] : memref<256x1xf32, #tpu.memory_space<vmem>>, vector<256x1xf32>
    %le3A = vector.broadcast %get3A_28 : vector<256x1xf32> to vector<256x512xf32>
    %le3A_29 = arith.cmpf ole, %select_n3A, %le3A : vector<256x512xf32>
    %convert_element_type3A = arith.extui %le3A_29 : vector<256x512xi1> to vector<256x512xi32>
    %convert_element_type3A_30 = arith.sitofp %convert_element_type3A : vector<256x512xi32> to vector<256x512xf32>
    %reduce_sum3A = arith.constant dense<0.000000e+00> : vector<256xf32>
    %reduce_sum3A_31 = vector.multi_reduction <add>, %convert_element_type3A_30, %reduce_sum3A [1] : vector<256x512xf32> to vector<256xf32>
    %broadcast_in_dim3A_32 = vector.shape_cast %reduce_sum3A_31 : vector<256xf32> to vector<256x1xf32>
    %get3A_33 = arith.constant 0 : index
    %get3A_34 = arith.constant 0 : index
    %get3A_35 = vector.load %arg6[%get3A_33, %get3A_34] : memref<1x512xf32, #tpu.memory_space<vmem>>, vector<1x512xf32>
    %mul3A_36 = vector.broadcast %get3A_35 : vector<1x512xf32> to vector<256x512xf32>
    %mul3A_37 = arith.mulf %convert_element_type3A_30, %mul3A_36 : vector<256x512xf32>
    %reduce_sum3A_38 = arith.constant dense<0.000000e+00> : vector<256xf32>
    %reduce_sum3A_39 = vector.multi_reduction <add>, %mul3A_37, %reduce_sum3A_38 [1] : vector<256x512xf32> to vector<256xf32>
    %broadcast_in_dim3A_40 = vector.shape_cast %reduce_sum3A_39 : vector<256xf32> to vector<256x1xf32>
    %eq3A = arith.constant 0 : i32
    %eq3A_41 = arith.cmpi eq, %arg0, %eq3A : i32
    %convert_element_type3A_42 = arith.extui %eq3A_41 : i1 to i32
    %cond3A = arith.constant 0 : i32
    %cond3A_43 = arith.cmpi ne, %convert_element_type3A_42, %cond3A : i32
    scf.if %cond3A_43 {
      %broadcast_in_dim3A_58 = arith.constant 0.000000e+00 : f32
      %broadcast_in_dim3A_59 = vector.broadcast %broadcast_in_dim3A_58 : f32 to vector<256x1xf32>
      %swap3A_60 = arith.constant 0 : index
      %swap3A_61 = arith.constant 0 : index
      %swap3A_62 = vector.load %arg8[%swap3A_60, %swap3A_61] : memref<256x1xf32, #tpu.memory_space<vmem>>, vector<256x1xf32>
      tpu.vector_store %arg8[%swap3A_60, %swap3A_61], %broadcast_in_dim3A_59 {strides = array<i32>} : memref<256x1xf32, #tpu.memory_space<vmem>>, vector<256x1xf32>,
      %broadcast_in_dim3A_63 = arith.constant 0.000000e+00 : f32
      %broadcast_in_dim3A_64 = vector.broadcast %broadcast_in_dim3A_63 : f32 to vector<256x1xf32>
      %swap3A_65 = arith.constant 0 : index
      %swap3A_66 = arith.constant 0 : index
      %swap3A_67 = vector.load %arg9[%swap3A_65, %swap3A_66] : memref<256x1xf32, #tpu.memory_space<vmem>>, vector<256x1xf32>
      tpu.vector_store %arg9[%swap3A_65, %swap3A_66], %broadcast_in_dim3A_64 {strides = array<i32>} : memref<256x1xf32, #tpu.memory_space<vmem>>, vector<256x1xf32>,
    } else {
    }
    %get3A_44 = arith.constant 0 : index
    %get3A_45 = arith.constant 0 : index
    %get3A_46 = vector.load %arg8[%get3A_44, %get3A_45] : memref<256x1xf32, #tpu.memory_space<vmem>>, vector<256x1xf32>
    %add3A_47 = arith.addf %get3A_46, %broadcast_in_dim3A_32 : vector<256x1xf32>
    %swap3A_48 = arith.constant 0 : index
    %swap3A_49 = arith.constant 0 : index
    %swap3A_50 = vector.load %arg8[%swap3A_48, %swap3A_49] : memref<256x1xf32, #tpu.memory_space<vmem>>, vector<256x1xf32>
    tpu.vector_store %arg8[%swap3A_48, %swap3A_49], %add3A_47 {strides = array<i32>} : memref<256x1xf32, #tpu.memory_space<vmem>>, vector<256x1xf32>,
    %get3A_51 = arith.constant 0 : index
    %get3A_52 = arith.constant 0 : index
    %get3A_53 = vector.load %arg9[%get3A_51, %get3A_52] : memref<256x1xf32, #tpu.memory_space<vmem>>, vector<256x1xf32>
    %add3A_54 = arith.addf %get3A_53, %broadcast_in_dim3A_40 : vector<256x1xf32>
    %swap3A_55 = arith.constant 0 : index
    %swap3A_56 = arith.constant 0 : index
    %swap3A_57 = vector.load %arg9[%swap3A_55, %swap3A_56] : memref<256x1xf32, #tpu.memory_space<vmem>>, vector<256x1xf32>
    tpu.vector_store %arg9[%swap3A_55, %swap3A_56], %add3A_54 {strides = array<i32>} : memref<256x1xf32, #tpu.memory_space<vmem>>, vector<256x1xf32>,
    return
  }
  func.func @transform_0(%arg0: i32) -> (i32, i32) {
    %c0_i32 = arith.constant 0 : i32
    %c0_i32_0 = arith.constant 0 : i32
    return %c0_i32, %arg0 : i32, i32
  }
  func.func @transform_1(%arg0: i32) -> (i32, i32) {
    %c0_i32 = arith.constant 0 : i32
    %c0_i32_0 = arith.constant 0 : i32
    %c0_i32_1 = arith.constant 0 : i32
    return %c0_i32, %c0_i32_0 : i32, i32
  }
  func.func @transform_2(%arg0: i32) -> (i32, i32) {
    %c0_i32 = arith.constant 0 : i32
    %c0_i32_0 = arith.constant 0 : i32
    %c0_i32_1 = arith.constant 0 : i32
    return %c0_i32, %c0_i32_0 : i32, i32
  }
  func.func @transform_3(%arg0: i32) -> (i32, i32) {
    %c0_i32 = arith.constant 0 : i32
    %c0_i32_0 = arith.constant 0 : i32
    %c0_i32_1 = arith.constant 0 : i32
    return %c0_i32, %c0_i32_0 : i32, i32
  }
  func.func @transform_4(%arg0: i32) -> (i32, i32) {
    %c0_i32 = arith.constant 0 : i32
    %c0_i32_0 = arith.constant 0 : i32
    %c0_i32_1 = arith.constant 0 : i32
    return %c0_i32, %c0_i32_0 : i32, i32
  }
  func.func @transform_5(%arg0: i32) -> (i32, i32) {
    %c0_i32 = arith.constant 0 : i32
    %c0_i32_0 = arith.constant 0 : i32
    return %c0_i32, %arg0 : i32, i32
  }
  func.func @transform_6(%arg0: i32) -> (i32, i32) {
    %c0_i32 = arith.constant 0 : i32
    %c0_i32_0 = arith.constant 0 : i32
    return %c0_i32, %arg0 : i32, i32
  }
  func.func @transform_7(%arg0: i32) -> (i32, i32) {
    %c0_i32 = arith.constant 0 : i32
    %c0_i32_0 = arith.constant 0 : i32
    %c0_i32_1 = arith.constant 0 : i32
    return %c0_i32, %c0_i32_0 : i32, i32
  }
  func.func @transform_8(%arg0: i32) -> (i32, i32) {
    %c0_i32 = arith.constant 0 : i32
    %c0_i32_0 = arith.constant 0 : i32
    %c0_i32_1 = arith.constant 0 : i32
    return %c0_i32, %c0_i32_0 : i32, i32
  }
}

</mosaic_0001>

<sc_bundles>
// kernel: kernel.4.cloned.1.call-start
scs
__scs_entry_jumppad:
0x0: {  	(pc) =	sbr.rel $0x88, $3  }
0x1: {  	(tag) =	ssettag $0x0;
	lr =	simm.s32 $0x1  }
0x2: {  	[smem:$0x3F9C] =	sst lr;
	_ =	strace $0xD0000000  }
0x3: {  	_ = 	snop  }
0x4: {  	_ = 	snop  }
0x5: {  	_ = 	snop  }
0x6: {  	_ = 	snop  }
0x7: {  	_ = 	snop  }
__scs_overlays_trampoline_lowered:
0x8: {  	[smem:$0x3FAB] =	sst s0  }
0x9: {  	[smem:$0x3FAC] =	sst s1  }
0xa: {  	[smem:$0x3FAD] =	sst s2  }
0xb: {  	[smem:$0x3FAE] =	sst s3  }
0xc: {  	[smem:$0x3FAF] =	sst s4  }
0xd: {  	[smem:$0x3FB0] =	sst s5  }
0xe: {  	[smem:$0x3FB1] =	sst s6  }
0xf: {  	[smem:$0x3FB2] =	sst s7  }
0x10: {  	[smem:$0x3FB3] =	sst s8  }
0x11: {  	[smem:$0x3FB4] =	sst s9;
	s0 =	simm.s32 @!p0 $0x0  }
0x12: {  	s1 =	sld [smem:$0x3F9A];
	s0 =	simm.s32 @p0 $0x1  }
0x13: {  	[smem:$0x3FB5] =	sst s0;
	s0 =	simm.s32 @!p1 $0x0  }
0x14: {  	s2 =	sld [smem:$0x3F99];
	s0 =	simm.s32 @p1 $0x1  }
0x15: {  	[smem:$0x3FB6] =	sst s0;
	s0 =	simm.s32 @!p2 $0x0  }
0x16: {  	s3 =	sld [smem:$0x3FDB];
	s0 =	simm.s32 @p2 $0x1  }
0x17: {  	s4 =	simm.s32 $0x1BF5;
	[smem:$0x3FB8] =	sst s0  }
0x18: {  	s0 =	sld [smem:$0x3F9B];
	_ =	swait.ge [sflag:s4], $0x0  }
0x19: {  	s7 =	sld [smem:$0x3F9C]  }
0x1a: {  	s8 =	sadd.s32 $0xFFFFE003, lr  }
0x1b: {  	s9 =	sadd.s32 $0xFFFFFEF7, lr;
	s5 =	simm.s32 $0xFFFFFFFF;
	p2 =	slt.u32 s8, $0xFFFFF086  }
0x1c: {  	p1 =	slt.u32 s9, $0xF7A;
	s5 =	simm.s32 @!p2 $0x0  }
0x1d: {  	s5 =	simm.s32 @p1 $0x1;
	p0 =	seq.s32 s7, s2  }
0x1e: {  	s7 =	smul.u32 @!p0 $0xF7A, s2;
	p2 =	seq.s32 @!p0 s5, $0x0  }
0x1f: {  	s9 =	smul.u32 $0xF7A, s1;
	s8 =	simm.s32 @!p0 $0x1BF5;
	p2 =	por !p2, p0  }
0x20: {  	[sflag:s8] =	ssyncset.s32 @!p0 $0xFFFFF086;
	s6 =	sadd.s32 @!p0 s3, s7;
	s7 =	simm.s32 @!p0 $0x108  }
0x21: {  	s3 =	sadd.s32 s3, s9;
	s6 =	sadd.s32 @!p0 $0x88, s6;
	s7 =	simm.s32 @p2 $0x1082  }
0x22: {  	[simem:s7], [sflag:s8] =	dma.local @!p0 [hbm:s6], $0xF7A  }
0x23: {  	s9 =	sor.u32 $0xD0000000, s2;
	s6 =	simm.s32 $0x108;
	_ =	swait.ge @!p0 [sflag:s8], $0x0  }
0x24: {  	s3 =	sadd.s32 $0x88, s3;
	s6 =	simm.s32 @!p1 $0x1082;
	[sflag:s4] =	ssyncset.s32 $0xFFFFF086  }
0x25: {  	[simem:s6], [sflag:s4] =	dma.local [hbm:s3], $0xF7A  }
0x26: {  	[smem:$0x3F9C] =	sst s1;
	(tag) =	ssettag s2;
	_ =	strace s9  }
0x27: {  	s1 =	sld [smem:$0x3FAC]  }
0x28: {  	s2 =	sld [smem:$0x3FAD]  }
0x29: {  	s4 =	sld [smem:$0x3FAF]  }
0x2a: {  	p0 =	seq.s32 s5, $0x0;
	s5 =	sld [smem:$0x3FB0]  }
0x2b: {  	s6 =	sld [smem:$0x3FB1]  }
0x2c: {  	s7 =	sld [smem:$0x3FB2]  }
0x2d: {  	s3 =	simm.s32 $0x108;
	s8 =	sld [smem:$0x3FB3]  }
0x2e: {  	s3 =	simm.s32 @!p0 $0x1082;
	s9 =	sld [smem:$0x3FB4]  }
0x2f: {  	lr =	sadd.s32 s0, s3;
	s0 =	sld [smem:$0x3FAB]  }
0x30: {  	s3 =	sld [smem:$0x3FAE]  }
0x31: {  	[smem:$0x3FB7] =	sst s10  }
0x32: {  	s10 =	sld [smem:$0x3FB5];
	_ =	sdelay $0x3  }
0x33: {  	p0 =	seq.s32 s10, $0x1;
	s10 =	sld [smem:$0x3FB7];
	_ =	sdelay $0x3  }
0x34: {  	[smem:$0x3FB7] =	sst s10  }
0x35: {  	s10 =	sld [smem:$0x3FB6];
	_ =	sdelay $0x3  }
0x36: {  	p1 =	seq.s32 s10, $0x1;
	s10 =	sld [smem:$0x3FB7];
	_ =	sdelay $0x3  }
0x37: {  	[smem:$0x3FB7] =	sst s10  }
0x38: {  	s10 =	sld [smem:$0x3FB8]  }
0x39: {  	_ = 	snop;
	(pc) =	sbr.ind lr, $3  }
0x3a: {  	_ = 	snop  }
0x3b: {  	_ = 	snop  }
0x3c: {  	p2 =	seq.s32 s10, $0x1;
	s10 =	sld [smem:$0x3FB7]  }
0x3d: {  	_ =	shalt  }
0x3e: {  	_ =	shalt  }
0x3f: {  	_ =	shalt  }
0x40: {  	_ =	shalt  }
0x41: {  	_ =	shalt  }
0x42: {  	_ =	shalt  }
0x43: {  	_ =	shalt  }
0x44: {  	_ =	shalt  }
0x45: {  	_ =	shalt  }
0x46: {  	_ =	shalt  }
0x47: {  	_ =	shalt  }
0x48: {  	_ =	shalt  }
0x49: {  	_ =	shalt  }
0x4a: {  	_ =	shalt  }
0x4b: {  	_ =	shalt  }
0x4c: {  	_ =	shalt  }
0x4d: {  	_ =	shalt  }
0x4e: {  	_ =	shalt  }
0x4f: {  	_ =	shalt  }
0x50: {  	_ =	shalt  }
0x51: {  	_ =	shalt  }
0x52: {  	_ =	shalt  }
0x53: {  	_ =	shalt  }
0x54: {  	_ =	shalt  }
0x55: {  	_ =	shalt  }
0x56: {  	_ =	shalt  }
0x57: {  	_ =	shalt  }
0x58: {  	_ =	shalt  }
0x59: {  	_ =	shalt  }
0x5a: {  	_ =	shalt  }
0x5b: {  	_ =	shalt  }
0x5c: {  	_ =	shalt  }
0x5d: {  	_ =	shalt  }
0x5e: {  	_ =	shalt  }
0x5f: {  	_ =	shalt  }
0x60: {  	_ =	shalt  }
0x61: {  	_ =	shalt  }
0x62: {  	_ =	shalt  }
0x63: {  	_ =	shalt  }
0x64: {  	_ =	shalt  }
0x65: {  	_ =	shalt  }
0x66: {  	_ =	shalt  }
0x67: {  	_ =	shalt  }
0x68: {  	_ =	shalt  }
0x69: {  	_ =	shalt  }
0x6a: {  	_ =	shalt  }
0x6b: {  	_ =	shalt  }
0x6c: {  	_ =	shalt  }
0x6d: {  	_ =	shalt  }
0x6e: {  	_ =	shalt  }
0x6f: {  	_ =	shalt  }
0x70: {  	_ =	shalt  }
0x71: {  	_ =	shalt  }
0x72: {  	_ =	shalt  }
0x73: {  	_ =	shalt  }
0x74: {  	_ =	shalt  }
0x75: {  	_ =	shalt  }
0x76: {  	_ =	shalt  }
0x77: {  	_ =	shalt  }
0x78: {  	_ =	shalt  }
0x79: {  	_ =	shalt  }
0x7a: {  	_ =	shalt  }
0x7b: {  	_ =	shalt  }
0x7c: {  	_ =	shalt  }
0x7d: {  	_ =	shalt  }
0x7e: {  	_ =	shalt  }
0x7f: {  	_ =	shalt  }
0x80: {  	_ =	shalt  }
0x81: {  	_ =	shalt  }
0x82: {  	_ =	shalt  }
0x83: {  	_ =	shalt  }
0x84: {  	_ =	shalt  }
0x85: {  	_ =	shalt  }
0x86: {  	_ =	shalt  }
0x87: {  	_ =	shalt  }
.Lfunc_end0:
.L_simem_size_0:
called_computation_lowered:
.L_overlay_start_0:
0x88: {  	s2 =	sld [smem:$0x3FD9]  }
0x89: {  	s3 =	sld [smem:$0x3FFE];
	_ =	sdelay $0x1  }
0x8a: {  	s1 =	srdreg.scid  }
0x8b: {  	s0 =	sand.u32 $0x1, s1  }
0x8c: {  	s14 =	sshll.u32 s0, $0xA;
	s2 =	sadd.s32 s3, s2  }
0x8d: {  	s2 =	sadd.s32 s2, s14  }
0x8e: {  	[smem:$0x3FC3] =	sst s2  }
0x8f: {  	_ = 	snop  }
0x90: {  	s2 =	sld [smem:$0x3FD0];
	_ =	sdelay $0x2  }
0x91: {  	s15 =	simm.s32 $0xA;
	s4 =	simm.s32 $0x10  }
0x92: {  	[smem:s4], [sflag:s15] =	dma.local [hbm:s2], $0x1  }
0x93: {  	_ =	swait.eq [sflag:s15], $0x1  }
0x94: {  	[sflag:s15] =	ssyncset.done $0x0  }
0x95: {  	[sflag:s15] =	ssyncadd.s32 $0xFFFFFFFF  }
0x96: {  	s16 =	sld [smem:$0x10];
	(tm) =	ssettm $0x1  }
0x97: {  	s17 =	sld [smem:$0x3FFB];
	_ =	sdelay $0x3  }
0x98: {  	_ =	strace s17  }
0x99: {  	s3 =	sld [smem:$0x3FFC];
	_ =	sdelay $0x3  }
0x9a: {  	_ =	strace s3  }
0x9b: {  	s3 =	sld [smem:$0x3FFD];
	_ =	sdelay $0x3  }
0x9c: {  	_ =	strace s3  }
0x9d: {  	_ =	strace $0x8FFFFFFF  }
0x9e: {  	s18 =	sld [smem:$0x3FDB];
	_ =	sdelay $0x1  }
0x9f: {  	s19 =	simm.s32 $_scs_section_size  }
0xa0: {  	s5 =	simm.s32 $_size__tile_overlayer_lowered;
	s6 =	simm.s32 $_tile_overlayer_lowered  }
0xa1: {  	s22 =	simm.s32 $0x1BFF;
	s21 =	sshll.u32 s6, $0x1;
	s3 =	sadd.s32 s19, s18  }
0xa2: {  	s7 =	simm.s32 $0x0;
	s20 =	sshll.u32 s5, $0x1;
	s5 =	sadd.s32 s21, s3  }
0xa3: {  	[timem:s7], [sflag:s22] =	dma.local [hbm:s5], s20  }
0xa4: {  	_ =	swait.ge [sflag:s22], s20  }
0xa5: {  	s4 =	ssub.s32 $0x0, s20;
	[sflag:s22] =	ssyncset.done $0x0  }
0xa6: {  	[sflag:s22] =	ssyncadd.s32 s4;
	_ =	sdelay $0x1  }
0xa7: {  	s23 =	simm.s32 $0x1B8B  }
0xa8: {  	_ =	swait.ge [sflag:s23], $0x1  }
0xa9: {  	[sflag:s23] =	ssyncset.done $0x0  }
0xaa: {  	s25 =	simm.s32 $0x1B8E;
	s24 =	sld [smem:$0x3FFE];
	[sflag:s23] =	ssyncadd.s32 $0xFFFFFFFF  }
0xab: {  	s26 =	simm.s32 $execute0_lowered;
	[smem:$0x3FD2] =	sst s25  }
0xac: {  	s5 =	sshll.u32 s26, $0x1;
	_ =	strace $0x80000046;
	[dreg:$0x1] =	wrdreg $0xFFFFFFFF  }
0xad: {  	s28 =	simm.s32 $_size_execute0_lowered;
	s3 =	sadd.s32 s3, s5;
	[dreg:$0x0] =	wrdreg $0x0  }
0xae: {  	s5 =	sshll.u32 s28, $0x1;
	[dreg:$0x2] =	wrdreg s3  }
0xaf: {  	[dreg:$0x3] =	wrdreg s5  }
0xb0: {  	[dreg:$0x4] =	wrdreg $0xC0  }
0xb1: {  	_ =	task [dreg:s7], $0x5FFFF  }
0xb2: {  	[dreg:$0x1] =	wrdreg $0xFFFFFFFF  }
0xb3: {  	[dreg:$0x0] =	wrdreg $0x60  }
0xb4: {  	[dreg:$0x2] =	wrdreg s16  }
0xb5: {  	[dreg:$0x3] =	wrdreg s24  }
0xb6: {  	[dreg:$0x4] =	wrdreg $0x9  }
0xb7: {  	_ =	task.clear_ibuf [dreg:s7], $0x5FFFF;
	_ =	strace $0x90000046  }
0xb8: {  	s29 =	simm.s32 $0x9;
	_ =	strace $0x80000048  }
0xb9: {  	_ =	swait.ge [sflag:s29], $0x1  }
0xba: {  	[sflag:s29] =	ssyncadd.s32 $0xFFFFFFFF  }
0xbb: {  	_ =	strace $0x90000048  }
0xbc: {  	_ =	sfence  }
0xbd: {  	s30 =	sld [smem:$0x0];
	_ =	sdelay $0x2  }
0xbe: {  	s31 =	sshll.u32 s1, $0xD;
	s1 =	sshrl.u32 s1, $0x2  }
0xbf: {  	s3 =	sand.u32 $0x4000, s31;
	s1 =	sadd.s32 s1, s30  }
0xc0: {  	s0 =	sor.u32 s3, s0;
	s1 =	sshll.u32 s1, $0x11  }
0xc1: {  	s0 =	sor.u32 s1, s0  }
0xc2: {  	s0 =	sadd.s32 $0x8F2B, s0  }
0xc3: {  	[sflag:s0] =	ssyncadd.remote.s32 $0x1  }
0xc4: {  	_ =	sfence.sel $0xFFFF  }
0xc5: {  	[dreg:$0x0] =	wrdreg $0xFFFFFFFF;
	(pc) =	sbr.abs _section_cstart, $3  }
0xc6: {  	[dreg:$0x1] =	wrdreg $0xFFFFFFFF  }
0xc7: {  	_ =	task.clear_ibuf [dreg:s7], $0x2FFFF;
	_ =	strace $0x9FFFFFFF  }
0xc8: {  	(tm) =	ssettm $0x7FFFFFFF  }
0xc9: {  	_ =	shalt  }
tec
execute0_lowered:
.L_overlay_start_1:
0x0: {  	(tag) =	ssettag $0x1  }
0x1: {  	s3 =	rddreg [dreg:$0x0]  }
0x2: {  	s5 =	rddreg [dreg:$0x1];
	s2 =	srdreg.scid  }
0x3: {  	s0 =	rddreg [dreg:$0x2];
	s1 =	stileid.u32;
	s4 =	sand.u32 $0x1, s2  }
0x4: {  	s2 =	simm.s32 $0x0;
	s6 =	sshll.u32 s1, $0x4;
	s7 =	sshll.u32 s4, $0x3  }
0x5: {  	[smem:$0x7FF] =	sst s2;
	s8 =	ssub.s32 $0x2, s4;
	s6 =	sor.u32 s7, s6  }
0x6: {  	s30 =	sshrl.u32 s8, $0x1;
	s7 =	sshll.u32 s6, $0x8;
	s6 =	sshll.u32 s6, $0x1  }
0x7: {  	_ =	strace $0x80000047;
	s4 =	sadd.s32 s3, s6;
	s6 =	ssub.s32 s8, s30  }
0x8: {  	[tilespmem:s2], [sflag:$0x1] =	stream.linear.gather [hbm4b:s4+s2], $0x80, $0x38;
	[tilespmem:$0x4080] =	vst v63  }
0x9: {  	s3 =	simm.s32 $0x1;
	s31 =	smax.u32 s6, $0x1  }
0xa: {  	_ =	swait.ge [sflag:s3], $0x80;
	p0 =	sne.s32 s31, $0x1  }
.Ltmp0:
0xb: {  	s5 =	sadd.s32 s7, s5;
	[sflag:s3] =	ssyncset.done $0x0;
	(pc) =	sbr.rel @!p0 .LBB2_2-.Ltmp0, $4  }
0xc: {  	s5 =	sadd.s32 $0x800, s5;
	s6 =	simm.s32 $0x80;
	[sflag:s3] =	ssyncadd.s32 $0xFFFFFF80  }
0xd: {  	[hbm4b:s5+s2] =	stream.linear.scatter [tilespmem:s6], [sflag:$0x1], $0x4000, $0x38;
	[tilespmem:$0x4080] =	vst v63  }
0xe: {  	_ =	swait.ge [sflag:s3], $0x4000  }
0xf: {  	s7 =	sadd.s32 $0xFFFFFFFF, s31;
	[sflag:s3] =	ssyncset.done $0x0  }
.LBB2_1:
0x10: {  	p0 =	sne.s32 s7, $0x1;
	s7 =	sadd.s32 $0xFFFFFFFF, s7;
	[sflag:s3] =	ssyncadd.s32 $0xFFFFC000  }
0x11: {  	[tilespmem:s2], [sflag:$0x1] =	stream.linear.gather [hbm4b:s4+s2], $0x80, $0x38;
	[tilespmem:$0x4080] =	vst v63  }
0x12: {  	_ =	swait.ge [sflag:s3], $0x80  }
.Ltmp1:
0x13: {  	[sflag:s3] =	ssyncset.done $0x0;
	(pc) =	sbr.rel @p0 .LBB2_1-.Ltmp1, $4  }
0x14: {  	[sflag:s3] =	ssyncadd.s32 $0xFFFFFF80  }
0x15: {  	[hbm4b:s5+s2] =	stream.linear.scatter [tilespmem:s6], [sflag:$0x1], $0x4000, $0x38;
	[tilespmem:$0x4080] =	vst v63  }
0x16: {  	_ =	swait.ge [sflag:s3], $0x4000  }
0x17: {  	[sflag:s3] =	ssyncset.done $0x0  }
.LBB2_2:
0x18: {  	[sflag:s3] =	ssyncadd.s32 $0xFFFFC000  }
0x19: {  	_ =	sfence.sel $0x180000  }
0x1a: {  	[bflag:$0x0] =	sbarrier.arrive $0xFFFF  }
0x1b: {  	p0 =	sne.s32 s1, $0x0;
	_ =	strace $0x90000047  }
0x1c: {  	s0 =	sadd.s32 @!p0 $0x100000, s0;
	[bflag:$0x2] =	sbarrier.arrive $0xFFFF  }
0x1d: {  	[sflag:s0] =	ssyncadd.tile.s32 @!p0 $0x1;
	_ =	shalt  }
.Lfunc_end2:
_tile_overlayer_lowered:
.L_overlay_start_2:
0x1e: {  	(tag) =	ssettag $0x2  }
0x1f: {  	s0 =	rddreg [dreg:$0x0];
	s2 =	stileid.u32  }
0x20: {  	s1 =	rddreg [dreg:$0x1];
	p0 =	sne.s32 s2, $0x0  }
0x21: {  	s3 =	rddreg [dreg:$0x2];
	[bflag:$0x3] =	sbarrier.arrive $0xFFFF;
	s2 =	simm.s32 @!p0 $0x1C01  }
0x22: {  	[timem:s3], [sflag:s2] =	dma.local @!p0 [hbm:s0], s1  }
0x23: {  	s0 =	simm.s32 @!p0 $0x1  }
0x24: {  	_ =	swait.ge @!p0 [sflag:s0], s1  }
0x25: {  	s1 =	ssub.s32 @!p0 $0x0, s1;
	[sflag:s0] =	ssyncset.done @!p0 $0x0  }
0x26: {  	[sflag:s0] =	ssyncadd.s32 @!p0 s1  }
0x27: {  	[bflag:$0x3] =	sbarrier.arrive $0xFFFF  }
0x28: {  	_ =	shalt  }

</sc_bundles>
